<compile_context>
chip_gen: v7x
topology: tpu7x:2x2x1
jax: 0.10.2.dev20260603
libtpu: 0.0.44.dev20260713+nightly
codegen_flags: <defaults>
</compile_context>

<pallas_src>
import functools
import jax
import jax.numpy as jnp
from jax import lax
from jax.experimental import pallas as pl
from jax.experimental.pallas import tpu as pltpu
from jax.experimental.pallas import tpu_sc as plsc

_B = 512
_N = 128
_F = 128
_H = 256
_MO = 64
_P = 64
_PN = _P * _N

_NC = 2
_NS = 16
_NW = _NC * _NS
_PPW = _B // _NW


_TRASH = _B * _N
_CNT1D = _B * _N + 16


def _sc_count_kernel(g_hbm, ones_hbm, zeros_hbm, out_hbm,
                     gv, onesv, zerov, shared, sem1, sem2, sem3, sem4):
    wid = lax.axis_index("c") * _NS + lax.axis_index("s")
    base = wid * _PPW * _N
    nloc = _PPW * _N
    c1 = pltpu.async_copy(g_hbm.at[pl.ds(base, nloc)], gv, sem1)
    c2 = pltpu.async_copy(ones_hbm, onesv, sem2)
    c3 = pltpu.async_copy(zeros_hbm, zerov, sem3)
    c4 = pltpu.async_copy(zeros_hbm, shared.at[pl.ds(base, nloc)], sem4)
    c1.wait(); c2.wait(); c3.wait(); c4.wait()
    pltpu.sync_copy(onesv, shared.at[gv], add=True)
    pltpu.sync_copy(zerov, shared.at[gv], add=True)
    pltpu.sync_copy(shared.at[pl.ds(base, nloc)], out_hbm.at[pl.ds(base, nloc)])


def _sc_count(g_flat):
    mesh = plsc.VectorSubcoreMesh(core_axis_name="c", subcore_axis_name="s")
    nloc = _PPW * _N
    return pl.kernel(
        _sc_count_kernel,
        mesh=mesh,
        out_type=jax.ShapeDtypeStruct((_B * _N,), jnp.float32),
        scratch_types=[
            pltpu.VMEM((nloc,), jnp.int32),
            pltpu.VMEM((nloc,), jnp.float32),
            pltpu.VMEM((nloc,), jnp.float32),
            pltpu.VMEM_SHARED((_CNT1D,), jnp.float32),
            pltpu.SemaphoreType.DMA,
            pltpu.SemaphoreType.DMA,
            pltpu.SemaphoreType.DMA,
            pltpu.SemaphoreType.DMA,
        ],
    )(g_flat, jnp.ones((nloc,), jnp.float32), jnp.zeros((nloc,), jnp.float32))


def _fused_kernel(trees_ref, count_ref, rootidx_ref, Wemb_ref, bemb_ref,
                  Wcat_ref, bmlp_ref, Wck_ref, bck_ref,
                  cost_ref, card_ref, mlp_ref):
    f32 = jnp.float32
    bf16 = jnp.bfloat16
    i32 = jnp.int32

    Wemb = Wemb_ref[...].astype(bf16)
    A = jnp.transpose(trees_ref[...].astype(bf16), (0, 2, 1)).reshape(_PN, _F)
    proj = jax.lax.dot_general(A, Wemb, (((1,), (0,)), ((), ())),
                               preferred_element_type=f32)
    E = jnp.maximum(proj + bemb_ref[...], 0.0).astype(bf16)

    EW = jax.lax.dot_general(E, Wcat_ref[...], (((1,), (0,)), ((), ())),
                             preferred_element_type=f32)
    S_T = EW[:, 0:1].reshape(_P, _N)

    countT = count_ref[0]

    mx = jnp.max(jnp.where(countT > 0.0, S_T, f32(-1e30)), axis=1,
                 keepdims=True)
    e = countT * jnp.exp(jnp.minimum(S_T - mx, 0.0))
    W_T = e / (jnp.sum(e, axis=1, keepdims=True) + f32(1e-9))

    lane_g = jax.lax.broadcasted_iota(i32, (_P, _PN), 1)
    row_p = jax.lax.broadcasted_iota(i32, (_P, _PN), 0)
    planmask = jax.lax.shift_right_logical(lane_g, 7) == row_p
    W_blk = jnp.where(planmask, W_T.reshape(1, _PN), 0.0)
    target = row_p * _N + rootidx_ref[0]
    R_sel = (lane_g == target).astype(f32)
    Sel = jnp.concatenate([W_blk, R_sel], axis=0).astype(bf16)
    RP = jax.lax.dot_general(Sel, EW[:, 1:129].astype(bf16),
                             (((1,), (0,)), ((), ())),
                             preferred_element_type=f32)

    mlp = jnp.maximum(RP[:_P, 0:_MO] + RP[_P:, _MO:2 * _MO]
                      + bmlp_ref[...], 0.0)
    mlp_ref[...] = mlp
    hk = jax.lax.dot_general(mlp, Wck_ref[...], (((1,), (0,)), ((), ())),
                             preferred_element_type=f32) + bck_ref[...]
    cost_ref[...] = hk[:, 0:1]
    card_ref[...] = hk[:, 1:2]


def kernel(trees, indexes, mask_padding, W_emb, b_emb, w_attn, W_mlp, b_mlp,
           W_cost, b_cost, W_card, b_card):
    f32 = jnp.float32
    idx = indexes.astype(jnp.int32)
    gbins = jnp.where(
        mask_padding, jnp.int32(_TRASH),
        idx + jnp.arange(_B, dtype=jnp.int32)[:, None] * _N)
    count = _sc_count(gbins.reshape(_B * _N)).reshape(_B // _P, _P, _N)
    rootidx = idx[:, 1].reshape(_B // _P, _P, 1)
    bemb2 = b_emb.reshape(1, _H).astype(f32)
    Wcat = jnp.concatenate(
        [w_attn.reshape(_H, 1), W_mlp[_H:], W_mlp[:_H]],
        axis=1).astype(jnp.bfloat16)
    bmlp2 = b_mlp.reshape(1, _MO).astype(f32)
    Wck = jnp.concatenate([W_cost, W_card], axis=1)
    bck = jnp.concatenate([b_cost, b_card]).reshape(1, 2).astype(f32)

    grid = (_B // _P,)

    out = pl.pallas_call(
        _fused_kernel,
        grid=grid,
        in_specs=[
            pl.BlockSpec((_P, _F, _N), lambda i: (i, 0, 0)),
            pl.BlockSpec((1, _P, _N), lambda i: (i, 0, 0)),
            pl.BlockSpec((1, _P, 1), lambda i: (i, 0, 0)),
            pl.BlockSpec((_F, _H), lambda i: (0, 0)),
            pl.BlockSpec((1, _H), lambda i: (0, 0)),
            pl.BlockSpec((_H, 129), lambda i: (0, 0)),
            pl.BlockSpec((1, _MO), lambda i: (0, 0)),
            pl.BlockSpec((_MO, 2), lambda i: (0, 0)),
            pl.BlockSpec((1, 2), lambda i: (0, 0)),
        ],
        out_specs=[
            pl.BlockSpec((_P, 1), lambda i: (i, 0)),
            pl.BlockSpec((_P, 1), lambda i: (i, 0)),
            pl.BlockSpec((_P, _MO), lambda i: (i, 0)),
        ],
        out_shape=[
            jax.ShapeDtypeStruct((_B, 1), f32),
            jax.ShapeDtypeStruct((_B, 1), f32),
            jax.ShapeDtypeStruct((_B, _MO), f32),
        ],
        compiler_params=pltpu.CompilerParams(
            dimension_semantics=("arbitrary",)),
    )(trees, count, rootidx, W_emb, bemb2, Wcat, bmlp2, Wck, bck)
    pred_cost, pred_card, mlp_out = out
    return pred_cost, pred_card, mlp_out

# --- scband reference (transcript-rebuilt; emitter-appended) ---
"""Pipeline reference for scband-base-plan-cost-estimator-14250701488389 (READ-ONLY COPY).

The authoritative reference and input builder live on the scoring server;
editing this copy changes nothing except your own understanding.
"""

import jax, jax.numpy as jnp
import numpy as np

B = 512
N_NODES = 128
FEAT = 128
HID = 256
MLP_OUT = 64


def setup_inputs(seed: int = 0) -> dict:
    key = jax.random.key(seed)
    ks = jax.random.split(key, 12)
    trees = jax.random.normal(ks[0], (B, FEAT, N_NODES), dtype=jnp.float32)
    indexes = jax.random.randint(ks[1], (B, N_NODES), 0, N_NODES, dtype=jnp.int64 if jax.config.jax_enable_x64 else jnp.int32).astype(jnp.int32)
    mask_padding = jax.random.randint(ks[2], (B, N_NODES), 0, 2).astype(bool)
    W_emb = jax.random.normal(ks[3], (FEAT, HID), dtype=jnp.float32) * (1.0 / np.sqrt(FEAT))
    b_emb = jnp.zeros((HID,), dtype=jnp.float32)
    w_attn = jax.random.normal(ks[4], (HID,), dtype=jnp.float32) * (1.0 / np.sqrt(HID))
    W_mlp = jax.random.normal(ks[5], (2 * HID, MLP_OUT), dtype=jnp.float32) * (1.0 / np.sqrt(2 * HID))
    b_mlp = jnp.zeros((MLP_OUT,), dtype=jnp.float32)
    W_cost = jax.random.normal(ks[6], (MLP_OUT, 1), dtype=jnp.float32) * (1.0 / np.sqrt(MLP_OUT))
    b_cost = jnp.zeros((1,), dtype=jnp.float32)
    W_card = jax.random.normal(ks[7], (MLP_OUT, 1), dtype=jnp.float32) * (1.0 / np.sqrt(MLP_OUT))
    b_card = jnp.zeros((1,), dtype=jnp.float32)
    return {"trees": trees, "indexes": indexes, "mask_padding": mask_padding,
            "W_emb": W_emb, "b_emb": b_emb, "w_attn": w_attn,
            "W_mlp": W_mlp, "b_mlp": b_mlp,
            "W_cost": W_cost, "b_cost": b_cost,
            "W_card": W_card, "b_card": b_card}


def reference(trees, indexes, mask_padding, W_emb, b_emb, w_attn, W_mlp, b_mlp, W_cost, b_cost, W_card, b_card):
    # plan_embedding_nn: gather node features via tree indexes, then project
    gathered = jnp.take_along_axis(trees, indexes[:, None, :].astype(jnp.int32), axis=2)  # [B, FEAT, N]
    emb = jax.nn.relu(jnp.einsum('bfn,fh->bhn', gathered, W_emb) + b_emb[None, :, None])  # [B, HID, N]
    emb_transposed = jnp.transpose(emb, (0, 2, 1))  # [B, N, HID]
    n_plans = emb_transposed.shape[0]
    n_nodes = emb_transposed.shape[1]
    emb_stacked = emb_transposed.reshape((-1, emb_transposed.shape[-1]))  # [B*N, HID]
    plan_indices = jnp.arange(n_plans)
    batch = jnp.repeat(plan_indices, n_nodes)  # [B*N]
    valid = ~mask_padding.reshape(-1)
    # attn_pool: attention pooling per plan segment over valid (non-padded) nodes
    scores = emb_stacked @ w_attn  # [B*N]
    scores = jnp.where(valid, scores, jnp.float32(-1e30))
    seg_max = jax.ops.segment_max(scores, batch, num_segments=n_plans)
    exp = jnp.exp(scores - jax.lax.stop_gradient(seg_max)[batch])
    exp = jnp.where(valid, exp, 0.0)
    denom = jax.ops.segment_sum(exp, batch, num_segments=n_plans) + 1e-9
    attn = exp / denom[batch]
    pool_vectors = jax.ops.segment_sum(attn[:, None] * emb_stacked, batch, num_segments=n_plans)  # [B, HID]
    root_vectors = emb_transposed[:, 1, :]  # [B, HID]
    combined = jnp.concatenate([root_vectors, pool_vectors], axis=1)  # [B, 2*HID]
    mlp_out = jax.nn.relu(combined @ W_mlp + b_mlp)  # [B, MLP_OUT]
    pred_cost = mlp_out @ W_cost + b_cost  # [B, 1]
    pred_card = mlp_out @ W_card + b_card  # [B, 1]
    return pred_cost, pred_card, mlp_out

if __name__ == "__main__":
    import jax
    _d = setup_inputs()
    print(jax.jit(kernel)(*tuple(_d.values())))

</pallas_src>

<mosaic_0001>
#map = affine_map<(d0, d1) -> (0)>
module attributes {stable_mosaic.version = 14 : i64} {
  func.func @_sc_count_kernel(%arg0: i32, %arg1: i32, %arg2: memref<65536xi32, #tpu.memory_space<hbm>>, %arg3: memref<2048xf32, #tpu.memory_space<hbm>>, %arg4: memref<2048xf32, #tpu.memory_space<hbm>>, %arg5: memref<65536xf32, #tpu.memory_space<hbm>>, %arg6: memref<2048xi32, #tpu.memory_space<vmem>>, %arg7: memref<2048xf32, #tpu.memory_space<vmem>>, %arg8: memref<2048xf32, #tpu.memory_space<vmem>>, %arg9: memref<65552xf32, #tpu.memory_space<vmem_shared>>, %arg10: memref<!tpu.dma_semaphore, #tpu.memory_space<semaphore_mem>>, %arg11: memref<!tpu.dma_semaphore, #tpu.memory_space<semaphore_mem>>, %arg12: memref<!tpu.dma_semaphore, #tpu.memory_space<semaphore_mem>>, %arg13: memref<!tpu.dma_semaphore, #tpu.memory_space<semaphore_mem>>) attributes {dimension_semantics = [#tpu.dimension_semantics<core_parallel>, #tpu.dimension_semantics<subcore_parallel>], iteration_bounds = array<i64: 2, 16>, scalar_prefetch = 0 : i64, scratch_operands = 8 : i64, tpu.core_type = #tpu.core_type<sc_vector_subcore>, window_params = [{transform_indices = #map}, {transform_indices = #map}, {transform_indices = #map}, {transform_indices = #map}]} {
    %mul3A = arith.constant 16 : i32
    %mul3A_0 = arith.muli %arg0, %mul3A : i32
    %add3A = arith.addi %mul3A_0, %arg1 : i32
    %mul3A_1 = arith.constant 16 : i32
    %mul3A_2 = arith.muli %add3A, %mul3A_1 : i32
    %mul3A_3 = arith.constant 128 : i32
    %mul3A_4 = arith.muli %mul3A_2, %mul3A_3 : i32
    %dma_start3A = tpu.memref_slice %arg2[%mul3A_4] : memref<65536xi32, #tpu.memory_space<hbm>> -> memref<2048xi32, #tpu.memory_space<hbm>>
    %dma_start3A_5 = tpu.memref_slice %arg2[%mul3A_4] : memref<65536xi32, #tpu.memory_space<hbm>> -> memref<2048xi32, #tpu.memory_space<hbm>>
    tpu.enqueue_dma source(%dma_start3A_5 : memref<2048xi32, #tpu.memory_space<hbm>>) target(%arg6 : memref<2048xi32, #tpu.memory_space<vmem>>) target_semaphore(%arg10 : memref<!tpu.dma_semaphore, #tpu.memory_space<semaphore_mem>>)
    tpu.enqueue_dma source(%arg3 : memref<2048xf32, #tpu.memory_space<hbm>>) target(%arg7 : memref<2048xf32, #tpu.memory_space<vmem>>) target_semaphore(%arg11 : memref<!tpu.dma_semaphore, #tpu.memory_space<semaphore_mem>>)
    tpu.enqueue_dma source(%arg4 : memref<2048xf32, #tpu.memory_space<hbm>>) target(%arg8 : memref<2048xf32, #tpu.memory_space<vmem>>) target_semaphore(%arg12 : memref<!tpu.dma_semaphore, #tpu.memory_space<semaphore_mem>>)
    %dma_start3A_6 = tpu.memref_slice %arg9[%mul3A_4] : memref<65552xf32, #tpu.memory_space<vmem_shared>> -> memref<2048xf32, #tpu.memory_space<vmem_shared>>
    tpu.enqueue_dma source(%arg4 : memref<2048xf32, #tpu.memory_space<hbm>>) target(%dma_start3A_6 : memref<2048xf32, #tpu.memory_space<vmem_shared>>) target_semaphore(%arg13 : memref<!tpu.dma_semaphore, #tpu.memory_space<semaphore_mem>>)
    %dma_wait3A = tpu.memref_slice %arg2[%mul3A_4] : memref<65536xi32, #tpu.memory_space<hbm>> -> memref<2048xi32, #tpu.memory_space<hbm>>
    %dma_wait3A_7 = tpu.memref_slice %arg2[%mul3A_4] : memref<65536xi32, #tpu.memory_space<hbm>> -> memref<2048xi32, #tpu.memory_space<hbm>>
    tpu.wait_dma2 semaphore(%arg10 : memref<!tpu.dma_semaphore, #tpu.memory_space<semaphore_mem>>) src(%dma_wait3A_7 : memref<2048xi32, #tpu.memory_space<hbm>>) dst(%arg6 : memref<2048xi32, #tpu.memory_space<vmem>>)
    tpu.wait_dma2 semaphore(%arg11 : memref<!tpu.dma_semaphore, #tpu.memory_space<semaphore_mem>>) src(%arg3 : memref<2048xf32, #tpu.memory_space<hbm>>) dst(%arg7 : memref<2048xf32, #tpu.memory_space<vmem>>)
    tpu.wait_dma2 semaphore(%arg12 : memref<!tpu.dma_semaphore, #tpu.memory_space<semaphore_mem>>) src(%arg4 : memref<2048xf32, #tpu.memory_space<hbm>>) dst(%arg8 : memref<2048xf32, #tpu.memory_space<vmem>>)
    %dma_wait3A_8 = tpu.memref_slice %arg9[%mul3A_4] : memref<65552xf32, #tpu.memory_space<vmem_shared>> -> memref<2048xf32, #tpu.memory_space<vmem_shared>>
    tpu.wait_dma2 semaphore(%arg13 : memref<!tpu.dma_semaphore, #tpu.memory_space<semaphore_mem>>) src(%arg4 : memref<2048xf32, #tpu.memory_space<hbm>>) dst(%dma_wait3A_8 : memref<2048xf32, #tpu.memory_space<vmem_shared>>)
    "tpu.region"() ({
      %run_scoped3A = tpu.sem_alloc : memref<!tpu.dma_semaphore, #tpu.memory_space<semaphore_mem>>
      %dma_start3A_9 = arith.constant 0 : i32
      %dma_start3A_10 = tpu.memref_slice %arg9[%dma_start3A_9] : memref<65552xf32, #tpu.memory_space<vmem_shared>> -> memref<65552xf32, #tpu.memory_space<vmem_shared>>
      tpu.enqueue_indirect_dma source(%arg7 : memref<2048xf32, #tpu.memory_space<vmem>>) target(%dma_start3A_10 : memref<65552xf32, #tpu.memory_space<vmem_shared>>) offsets(%arg6 : memref<2048xi32, #tpu.memory_space<vmem>>) semaphore(%run_scoped3A : memref<!tpu.dma_semaphore, #tpu.memory_space<semaphore_mem>>) {add = true}
      %dma_wait3A_11 = arith.constant 0 : i32
      %dma_wait3A_12 = tpu.memref_slice %arg9[%dma_wait3A_11] : memref<65552xf32, #tpu.memory_space<vmem_shared>> -> memref<65552xf32, #tpu.memory_space<vmem_shared>>
      tpu.wait_indirect_dma semaphore(%run_scoped3A : memref<!tpu.dma_semaphore, #tpu.memory_space<semaphore_mem>>) src(%arg7 : memref<2048xf32, #tpu.memory_space<vmem>>) dst(%dma_wait3A_12 : memref<65552xf32, #tpu.memory_space<vmem_shared>>)
      tpu.yield
    }) : () -> ()
    "tpu.region"() ({
      %run_scoped3A = tpu.sem_alloc : memref<!tpu.dma_semaphore, #tpu.memory_space<semaphore_mem>>
      %dma_start3A_9 = arith.constant 0 : i32
      %dma_start3A_10 = tpu.memref_slice %arg9[%dma_start3A_9] : memref<65552xf32, #tpu.memory_space<vmem_shared>> -> memref<65552xf32, #tpu.memory_space<vmem_shared>>
      tpu.enqueue_indirect_dma source(%arg8 : memref<2048xf32, #tpu.memory_space<vmem>>) target(%dma_start3A_10 : memref<65552xf32, #tpu.memory_space<vmem_shared>>) offsets(%arg6 : memref<2048xi32, #tpu.memory_space<vmem>>) semaphore(%run_scoped3A : memref<!tpu.dma_semaphore, #tpu.memory_space<semaphore_mem>>) {add = true}
      %dma_wait3A_11 = arith.constant 0 : i32
      %dma_wait3A_12 = tpu.memref_slice %arg9[%dma_wait3A_11] : memref<65552xf32, #tpu.memory_space<vmem_shared>> -> memref<65552xf32, #tpu.memory_space<vmem_shared>>
      tpu.wait_indirect_dma semaphore(%run_scoped3A : memref<!tpu.dma_semaphore, #tpu.memory_space<semaphore_mem>>) src(%arg8 : memref<2048xf32, #tpu.memory_space<vmem>>) dst(%dma_wait3A_12 : memref<65552xf32, #tpu.memory_space<vmem_shared>>)
      tpu.yield
    }) : () -> ()
    "tpu.region"() ({
      %run_scoped3A = tpu.sem_alloc : memref<!tpu.dma_semaphore, #tpu.memory_space<semaphore_mem>>
      %dma_start3A_9 = tpu.memref_slice %arg5[%mul3A_4] : memref<65536xf32, #tpu.memory_space<hbm>> -> memref<2048xf32, #tpu.memory_space<hbm>>
      %dma_start3A_10 = tpu.memref_slice %arg9[%mul3A_4] : memref<65552xf32, #tpu.memory_space<vmem_shared>> -> memref<2048xf32, #tpu.memory_space<vmem_shared>>
      tpu.enqueue_dma source(%dma_start3A_10 : memref<2048xf32, #tpu.memory_space<vmem_shared>>) target(%dma_start3A_9 : memref<2048xf32, #tpu.memory_space<hbm>>) target_semaphore(%run_scoped3A : memref<!tpu.dma_semaphore, #tpu.memory_space<semaphore_mem>>)
      %dma_wait3A_11 = tpu.memref_slice %arg5[%mul3A_4] : memref<65536xf32, #tpu.memory_space<hbm>> -> memref<2048xf32, #tpu.memory_space<hbm>>
      %dma_wait3A_12 = tpu.memref_slice %arg9[%mul3A_4] : memref<65552xf32, #tpu.memory_space<vmem_shared>> -> memref<2048xf32, #tpu.memory_space<vmem_shared>>
      tpu.wait_dma2 semaphore(%run_scoped3A : memref<!tpu.dma_semaphore, #tpu.memory_space<semaphore_mem>>) src(%dma_wait3A_12 : memref<2048xf32, #tpu.memory_space<vmem_shared>>) dst(%dma_wait3A_11 : memref<2048xf32, #tpu.memory_space<hbm>>)
      tpu.yield
    }) : () -> ()
    return
  }
}

module attributes {stable_mosaic.version = 14 : i64} {
  func.func @_fused_kernel(%arg0: i32, %arg1: memref<64x128x128xf32, #tpu.memory_space<vmem>>, %arg2: memref<1x64x128xf32, #tpu.memory_space<vmem>>, %arg3: memref<1x64x1xi32, #tpu.memory_space<vmem>>, %arg4: memref<128x256xf32, #tpu.memory_space<vmem>>, %arg5: memref<1x256xf32, #tpu.memory_space<vmem>>, %arg6: memref<256x129xbf16, #tpu.memory_space<vmem>>, %arg7: memref<1x64xf32, #tpu.memory_space<vmem>>, %arg8: memref<64x2xf32, #tpu.memory_space<vmem>>, %arg9: memref<1x2xf32, #tpu.memory_space<vmem>>, %arg10: memref<64x1xf32, #tpu.memory_space<vmem>>, %arg11: memref<64x1xf32, #tpu.memory_space<vmem>>, %arg12: memref<64x64xf32, #tpu.memory_space<vmem>>) attributes {dimension_semantics = [#tpu.dimension_semantics<arbitrary>], iteration_bounds = array<i64: 8>, scalar_prefetch = 0 : i64, scratch_operands = 0 : i64, tpu.core_type = #tpu.core_type<tc>, window_params = [{transform_indices = @transform_0, window_bounds = array<i64: 64, 128, 128>}, {transform_indices = @transform_1, window_bounds = array<i64: 1, 64, 128>}, {transform_indices = @transform_2, window_bounds = array<i64: 1, 64, 1>}, {pipeline_mode = #tpu.pipeline_mode<synchronous>, transform_indices = @transform_3, window_bounds = array<i64: 128, 256>}, {pipeline_mode = #tpu.pipeline_mode<synchronous>, transform_indices = @transform_4, window_bounds = array<i64: 1, 256>}, {pipeline_mode = #tpu.pipeline_mode<synchronous>, transform_indices = @transform_5, window_bounds = array<i64: 256, 129>}, {pipeline_mode = #tpu.pipeline_mode<synchronous>, transform_indices = @transform_6, window_bounds = array<i64: 1, 64>}, {pipeline_mode = #tpu.pipeline_mode<synchronous>, transform_indices = @transform_7, window_bounds = array<i64: 64, 2>}, {pipeline_mode = #tpu.pipeline_mode<synchronous>, transform_indices = @transform_8, window_bounds = array<i64: 1, 2>}, {transform_indices = @transform_9, window_bounds = array<i64: 64, 1>}, {transform_indices = @transform_10, window_bounds = array<i64: 64, 1>}, {transform_indices = @transform_11, window_bounds = array<i64: 64, 64>}]} {
    %get3A = arith.constant 0 : index
    %get3A_0 = arith.constant 0 : index
    %get3A_1 = vector.load %arg4[%get3A, %get3A_0] : memref<128x256xf32, #tpu.memory_space<vmem>>, vector<128x256xf32>
    %convert_element_type3A = arith.truncf %get3A_1 : vector<128x256xf32> to vector<128x256xbf16>
    %get3A_2 = arith.constant 0 : index
    %get3A_3 = arith.constant 0 : index
    %get3A_4 = arith.constant 0 : index
    %get3A_5 = vector.load %arg1[%get3A_2, %get3A_3, %get3A_4] : memref<64x128x128xf32, #tpu.memory_space<vmem>>, vector<64x128x128xf32>
    %convert_element_type3A_6 = arith.truncf %get3A_5 : vector<64x128x128xf32> to vector<64x128x128xbf16>
    %transpose3A = tpu.transpose %convert_element_type3A_6, [0, 2, 1] : vector<64x128x128xbf16> -> vector<64x128x128xbf16>
    %reshape3A = vector.shape_cast %transpose3A : vector<64x128x128xbf16> to vector<8192x128xbf16>
    %dot_general3A = arith.constant dense<0.000000e+00> : vector<8192x256xf32>
    %dot_general3A_7 = tpu.matmul %reshape3A, %convert_element_type3A, %dot_general3A {dimension_numbers = #tpu.dot_dimension_numbers<[1], [0], [0], [1], [0, 0, 1, 1], [], []>, transpose_lhs_hint = false} : vector<8192x128xbf16>, vector<128x256xbf16>, vector<8192x256xf32> -> vector<8192x256xf32>
    %get3A_8 = arith.constant 0 : index
    %get3A_9 = arith.constant 0 : index
    %get3A_10 = vector.load %arg5[%get3A_8, %get3A_9] : memref<1x256xf32, #tpu.memory_space<vmem>>, vector<1x256xf32>
    %add3A = vector.broadcast %get3A_10 : vector<1x256xf32> to vector<8192x256xf32>
    %add3A_11 = arith.addf %dot_general3A_7, %add3A : vector<8192x256xf32>
    %max3A = arith.constant 0.000000e+00 : f32
    %max3A_12 = vector.broadcast %max3A : f32 to vector<8192x256xf32>
    %max3A_13 = arith.maximumf %add3A_11, %max3A_12 : vector<8192x256xf32>
    %convert_element_type3A_14 = arith.truncf %max3A_13 : vector<8192x256xf32> to vector<8192x256xbf16>
    %get3A_15 = arith.constant 0 : index
    %get3A_16 = arith.constant 0 : index
    %get3A_17 = vector.load %arg6[%get3A_15, %get3A_16] : memref<256x129xbf16, #tpu.memory_space<vmem>>, vector<256x129xbf16>
    %dot_general3A_18 = arith.constant dense<0.000000e+00> : vector<8192x129xf32>
    %dot_general3A_19 = tpu.matmul %convert_element_type3A_14, %get3A_17, %dot_general3A_18 {dimension_numbers = #tpu.dot_dimension_numbers<[1], [0], [0], [1], [0, 0, 1, 1], [], []>, transpose_lhs_hint = false} : vector<8192x256xbf16>, vector<256x129xbf16>, vector<8192x129xf32> -> vector<8192x129xf32>
    %slice3A = vector.extract_strided_slice %dot_general3A_19 {offsets = [0, 0], sizes = [8192, 1], strides = [1, 1]} : vector<8192x129xf32> to vector<8192x1xf32>
    %reshape3A_20 = vector.shape_cast %slice3A : vector<8192x1xf32> to vector<64x128xf32>
    %get3A_21 = arith.constant 0 : index
    %get3A_22 = arith.constant 0 : index
    %get3A_23 = arith.constant 0 : index
    %get3A_24 = vector.load %arg2[%get3A_21, %get3A_22, %get3A_23] : memref<1x64x128xf32, #tpu.memory_space<vmem>>, vector<1x64x128xf32>
    %get3A_25 = vector.shape_cast %get3A_24 : vector<1x64x128xf32> to vector<64x128xf32>
    %gt3A = arith.constant 0.000000e+00 : f32
    %gt3A_26 = vector.broadcast %gt3A : f32 to vector<64x128xf32>
    %gt3A_27 = arith.cmpf ogt, %get3A_25, %gt3A_26 : vector<64x128xf32>
    %jit3A = arith.constant -1.000000e+30 : f32
    %broadcast_in_dim3A = vector.broadcast %jit3A : f32 to vector<64x128xf32>
    %select_n3A = arith.select %gt3A_27, %reshape3A_20, %broadcast_in_dim3A : vector<64x128xi1>, vector<64x128xf32>
    %reduce_max3A = arith.constant dense<0xFF800000> : vector<64xf32>
    %reduce_max3A_28 = vector.multi_reduction <maximumf>, %select_n3A, %reduce_max3A [1] : vector<64x128xf32> to vector<64xf32>
    %broadcast_in_dim3A_29 = vector.shape_cast %reduce_max3A_28 : vector<64xf32> to vector<64x1xf32>
    %sub3A = vector.broadcast %broadcast_in_dim3A_29 : vector<64x1xf32> to vector<64x128xf32>
    %sub3A_30 = arith.subf %reshape3A_20, %sub3A : vector<64x128xf32>
    %min3A = arith.constant 0.000000e+00 : f32
    %min3A_31 = vector.broadcast %min3A : f32 to vector<64x128xf32>
    %min3A_32 = arith.minimumf %sub3A_30, %min3A_31 : vector<64x128xf32>
    %exp3A = math.exp %min3A_32 : vector<64x128xf32>
    %mul3A = arith.mulf %get3A_25, %exp3A : vector<64x128xf32>
    %reduce_sum3A = arith.constant dense<0.000000e+00> : vector<64xf32>
    %reduce_sum3A_33 = vector.multi_reduction <add>, %mul3A, %reduce_sum3A [1] : vector<64x128xf32> to vector<64xf32>
    %broadcast_in_dim3A_34 = vector.shape_cast %reduce_sum3A_33 : vector<64xf32> to vector<64x1xf32>
    %add3A_35 = arith.constant 9.99999971E-10 : f32
    %add3A_36 = vector.broadcast %add3A_35 : f32 to vector<64x1xf32>
    %add3A_37 = arith.addf %broadcast_in_dim3A_34, %add3A_36 : vector<64x1xf32>
    %div3A = vector.broadcast %add3A_37 : vector<64x1xf32> to vector<64x128xf32>
    %div3A_38 = arith.divf %mul3A, %div3A : vector<64x128xf32>
    %iota3A = tpu.iota {dimensions = array<i32: 1>} : vector<64x8192xi32>
    %iota3A_39 = tpu.iota {dimensions = array<i32: 0>} : vector<64x8192xi32>
    %shift_right_logical3A = arith.constant 7 : i32
    %shift_right_logical3A_40 = vector.broadcast %shift_right_logical3A : i32 to vector<64x8192xi32>
    %shift_right_logical3A_41 = arith.shrui %iota3A, %shift_right_logical3A_40 : vector<64x8192xi32>
    %eq3A = arith.cmpi eq, %shift_right_logical3A_41, %iota3A_39 : vector<64x8192xi32>
    %reshape3A_42 = vector.shape_cast %div3A_38 : vector<64x128xf32> to vector<1x8192xf32>
    %jit3A_43 = arith.constant 0.000000e+00 : f32
    %broadcast_in_dim3A_44 = vector.shape_cast %reshape3A_42 : vector<1x8192xf32> to vector<1x8192xf32>
    %broadcast_in_dim3A_45 = vector.broadcast %broadcast_in_dim3A_44 : vector<1x8192xf32> to vector<64x8192xf32>
    %broadcast_in_dim3A_46 = vector.broadcast %jit3A_43 : f32 to vector<64x8192xf32>
    %select_n3A_47 = arith.select %eq3A, %broadcast_in_dim3A_45, %broadcast_in_dim3A_46 : vector<64x8192xi1>, vector<64x8192xf32>
    %mul3A_48 = arith.constant 128 : i32
    %mul3A_49 = vector.broadcast %mul3A_48 : i32 to vector<64x8192xi32>
    %mul3A_50 = arith.muli %iota3A_39, %mul3A_49 : vector<64x8192xi32>
    %get3A_51 = arith.constant 0 : index
    %get3A_52 = arith.constant 0 : index
    %get3A_53 = arith.constant 0 : index
    %get3A_54 = vector.load %arg3[%get3A_51, %get3A_52, %get3A_53] : memref<1x64x1xi32, #tpu.memory_space<vmem>>, vector<1x64x1xi32>
    %get3A_55 = vector.shape_cast %get3A_54 : vector<1x64x1xi32> to vector<64x1xi32>
    %add3A_56 = vector.broadcast %get3A_55 : vector<64x1xi32> to vector<64x8192xi32>
    %add3A_57 = arith.addi %mul3A_50, %add3A_56 : vector<64x8192xi32>
    %eq3A_58 = arith.cmpi eq, %iota3A, %add3A_57 : vector<64x8192xi32>
    %convert_element_type3A_59 = arith.extui %eq3A_58 : vector<64x8192xi1> to vector<64x8192xi32>
    %convert_element_type3A_60 = arith.sitofp %convert_element_type3A_59 : vector<64x8192xi32> to vector<64x8192xf32>
    %concatenate3A = tpu.concatenate %select_n3A_47, %convert_element_type3A_60 in 0 : vector<64x8192xf32>, vector<64x8192xf32> -> vector<128x8192xf32>
    %convert_element_type3A_61 = arith.truncf %concatenate3A : vector<128x8192xf32> to vector<128x8192xbf16>
    %slice3A_62 = vector.extract_strided_slice %dot_general3A_19 {offsets = [0, 1], sizes = [8192, 128], strides = [1, 1]} : vector<8192x129xf32> to vector<8192x128xf32>
    %convert_element_type3A_63 = arith.truncf %slice3A_62 : vector<8192x128xf32> to vector<8192x128xbf16>
    %dot_general3A_64 = arith.constant dense<0.000000e+00> : vector<128x128xf32>
    %dot_general3A_65 = tpu.matmul %convert_element_type3A_61, %convert_element_type3A_63, %dot_general3A_64 {dimension_numbers = #tpu.dot_dimension_numbers<[1], [0], [0], [1], [0, 0, 1, 1], [], []>, transpose_lhs_hint = false} : vector<128x8192xbf16>, vector<8192x128xbf16>, vector<128x128xf32> -> vector<128x128xf32>
    %slice3A_66 = vector.extract_strided_slice %dot_general3A_65 {offsets = [0, 0], sizes = [64, 64], strides = [1, 1]} : vector<128x128xf32> to vector<64x64xf32>
    %slice3A_67 = vector.extract_strided_slice %dot_general3A_65 {offsets = [64, 64], sizes = [64, 64], strides = [1, 1]} : vector<128x128xf32> to vector<64x64xf32>
    %add3A_68 = arith.addf %slice3A_66, %slice3A_67 : vector<64x64xf32>
    %get3A_69 = arith.constant 0 : index
    %get3A_70 = arith.constant 0 : index
    %get3A_71 = vector.load %arg7[%get3A_69, %get3A_70] : memref<1x64xf32, #tpu.memory_space<vmem>>, vector<1x64xf32>
    %add3A_72 = vector.broadcast %get3A_71 : vector<1x64xf32> to vector<64x64xf32>
    %add3A_73 = arith.addf %add3A_68, %add3A_72 : vector<64x64xf32>
    %max3A_74 = arith.constant 0.000000e+00 : f32
    %max3A_75 = vector.broadcast %max3A_74 : f32 to vector<64x64xf32>
    %max3A_76 = arith.maximumf %add3A_73, %max3A_75 : vector<64x64xf32>
    %swap3A = arith.constant 0 : index
    %swap3A_77 = arith.constant 0 : index
    %swap3A_78 = vector.load %arg12[%swap3A, %swap3A_77] : memref<64x64xf32, #tpu.memory_space<vmem>>, vector<64x64xf32>
    tpu.vector_store %arg12[%swap3A, %swap3A_77], %max3A_76 {strides = array<i32>} : memref<64x64xf32, #tpu.memory_space<vmem>>, vector<64x64xf32>,
    %get3A_79 = arith.constant 0 : index
    %get3A_80 = arith.constant 0 : index
    %get3A_81 = vector.load %arg8[%get3A_79, %get3A_80] : memref<64x2xf32, #tpu.memory_space<vmem>>, vector<64x2xf32>
    %dot_general3A_82 = arith.constant dense<0.000000e+00> : vector<64x2xf32>
    %dot_general3A_83 = tpu.matmul %max3A_76, %get3A_81, %dot_general3A_82 {dimension_numbers = #tpu.dot_dimension_numbers<[1], [0], [0], [1], [0, 0, 1, 1], [], []>, transpose_lhs_hint = false} : vector<64x64xf32>, vector<64x2xf32>, vector<64x2xf32> -> vector<64x2xf32>
    %get3A_84 = arith.constant 0 : index
    %get3A_85 = arith.constant 0 : index
    %get3A_86 = vector.load %arg9[%get3A_84, %get3A_85] : memref<1x2xf32, #tpu.memory_space<vmem>>, vector<1x2xf32>
    %add3A_87 = vector.broadcast %get3A_86 : vector<1x2xf32> to vector<64x2xf32>
    %add3A_88 = arith.addf %dot_general3A_83, %add3A_87 : vector<64x2xf32>
    %slice3A_89 = vector.extract_strided_slice %add3A_88 {offsets = [0, 0], sizes = [64, 1], strides = [1, 1]} : vector<64x2xf32> to vector<64x1xf32>
    %swap3A_90 = arith.constant 0 : index
    %swap3A_91 = arith.constant 0 : index
    %swap3A_92 = vector.load %arg10[%swap3A_90, %swap3A_91] : memref<64x1xf32, #tpu.memory_space<vmem>>, vector<64x1xf32>
    tpu.vector_store %arg10[%swap3A_90, %swap3A_91], %slice3A_89 {strides = array<i32>} : memref<64x1xf32, #tpu.memory_space<vmem>>, vector<64x1xf32>,
    %slice3A_93 = vector.extract_strided_slice %add3A_88 {offsets = [0, 1], sizes = [64, 1], strides = [1, 1]} : vector<64x2xf32> to vector<64x1xf32>
    %swap3A_94 = arith.constant 0 : index
    %swap3A_95 = arith.constant 0 : index
    %swap3A_96 = vector.load %arg11[%swap3A_94, %swap3A_95] : memref<64x1xf32, #tpu.memory_space<vmem>>, vector<64x1xf32>
    tpu.vector_store %arg11[%swap3A_94, %swap3A_95], %slice3A_93 {strides = array<i32>} : memref<64x1xf32, #tpu.memory_space<vmem>>, vector<64x1xf32>,
    return
  }
  func.func @transform_0(%arg0: i32) -> (i32, i32, i32) {
    %c0_i32 = arith.constant 0 : i32
    %c0_i32_0 = arith.constant 0 : i32
    %c0_i32_1 = arith.constant 0 : i32
    return %arg0, %c0_i32, %c0_i32_0 : i32, i32, i32
  }
  func.func @transform_1(%arg0: i32) -> (i32, i32, i32) {
    %c0_i32 = arith.constant 0 : i32
    %c0_i32_0 = arith.constant 0 : i32
    %c0_i32_1 = arith.constant 0 : i32
    return %arg0, %c0_i32, %c0_i32_0 : i32, i32, i32
  }
  func.func @transform_2(%arg0: i32) -> (i32, i32, i32) {
    %c0_i32 = arith.constant 0 : i32
    %c0_i32_0 = arith.constant 0 : i32
    %c0_i32_1 = arith.constant 0 : i32
    return %arg0, %c0_i32, %c0_i32_0 : i32, i32, i32
  }
  func.func @transform_3(%arg0: i32) -> (i32, i32) {
    %c0_i32 = arith.constant 0 : i32
    %c0_i32_0 = arith.constant 0 : i32
    %c0_i32_1 = arith.constant 0 : i32
    return %c0_i32, %c0_i32_0 : i32, i32
  }
  func.func @transform_4(%arg0: i32) -> (i32, i32) {
    %c0_i32 = arith.constant 0 : i32
    %c0_i32_0 = arith.constant 0 : i32
    %c0_i32_1 = arith.constant 0 : i32
    return %c0_i32, %c0_i32_0 : i32, i32
  }
  func.func @transform_5(%arg0: i32) -> (i32, i32) {
    %c0_i32 = arith.constant 0 : i32
    %c0_i32_0 = arith.constant 0 : i32
    %c0_i32_1 = arith.constant 0 : i32
    return %c0_i32, %c0_i32_0 : i32, i32
  }
  func.func @transform_6(%arg0: i32) -> (i32, i32) {
    %c0_i32 = arith.constant 0 : i32
    %c0_i32_0 = arith.constant 0 : i32
    %c0_i32_1 = arith.constant 0 : i32
    return %c0_i32, %c0_i32_0 : i32, i32
  }
  func.func @transform_7(%arg0: i32) -> (i32, i32) {
    %c0_i32 = arith.constant 0 : i32
    %c0_i32_0 = arith.constant 0 : i32
    %c0_i32_1 = arith.constant 0 : i32
    return %c0_i32, %c0_i32_0 : i32, i32
  }
  func.func @transform_8(%arg0: i32) -> (i32, i32) {
    %c0_i32 = arith.constant 0 : i32
    %c0_i32_0 = arith.constant 0 : i32
    %c0_i32_1 = arith.constant 0 : i32
    return %c0_i32, %c0_i32_0 : i32, i32
  }
  func.func @transform_9(%arg0: i32) -> (i32, i32) {
    %c0_i32 = arith.constant 0 : i32
    %c0_i32_0 = arith.constant 0 : i32
    return %arg0, %c0_i32 : i32, i32
  }
  func.func @transform_10(%arg0: i32) -> (i32, i32) {
    %c0_i32 = arith.constant 0 : i32
    %c0_i32_0 = arith.constant 0 : i32
    return %arg0, %c0_i32 : i32, i32
  }
  func.func @transform_11(%arg0: i32) -> (i32, i32) {
    %c0_i32 = arith.constant 0 : i32
    %c0_i32_0 = arith.constant 0 : i32
    return %arg0, %c0_i32 : i32, i32
  }
}

</mosaic_0001>

<sc_bundles>
// kernel: kernel.4.cloned.1.call-start
scs
__scs_entry_jumppad:
0x0: {  	(pc) =	sbr.rel $0x88, $3  }
0x1: {  	(tag) =	ssettag $0x0;
	lr =	simm.s32 $0x1  }
0x2: {  	[smem:$0x3F95] =	sst lr;
	_ =	strace $0xD0000000  }
0x3: {  	_ = 	snop  }
0x4: {  	_ = 	snop  }
0x5: {  	_ = 	snop  }
0x6: {  	_ = 	snop  }
0x7: {  	_ = 	snop  }
__scs_overlays_trampoline_lowered:
0x8: {  	[smem:$0x3FA4] =	sst s0  }
0x9: {  	[smem:$0x3FA5] =	sst s1  }
0xa: {  	[smem:$0x3FA6] =	sst s2  }
0xb: {  	[smem:$0x3FA7] =	sst s3  }
0xc: {  	[smem:$0x3FA8] =	sst s4  }
0xd: {  	[smem:$0x3FA9] =	sst s5  }
0xe: {  	[smem:$0x3FAA] =	sst s6  }
0xf: {  	[smem:$0x3FAB] =	sst s7  }
0x10: {  	[smem:$0x3FAC] =	sst s8  }
0x11: {  	[smem:$0x3FAD] =	sst s9;
	s0 =	simm.s32 @!p0 $0x0  }
0x12: {  	s1 =	sld [smem:$0x3F93];
	s0 =	simm.s32 @p0 $0x1  }
0x13: {  	[smem:$0x3FAE] =	sst s0;
	s0 =	simm.s32 @!p1 $0x0  }
0x14: {  	s2 =	sld [smem:$0x3F92];
	s0 =	simm.s32 @p1 $0x1  }
0x15: {  	[smem:$0x3FAF] =	sst s0;
	s0 =	simm.s32 @!p2 $0x0  }
0x16: {  	s3 =	sld [smem:$0x3FDB];
	s0 =	simm.s32 @p2 $0x1  }
0x17: {  	s4 =	simm.s32 $0x1BF5;
	[smem:$0x3FB1] =	sst s0  }
0x18: {  	s0 =	sld [smem:$0x3F94];
	_ =	swait.ge [sflag:s4], $0x0  }
0x19: {  	s7 =	sld [smem:$0x3F95]  }
0x1a: {  	s8 =	sadd.s32 $0xFFFFE003, lr  }
0x1b: {  	s9 =	sadd.s32 $0xFFFFFEF7, lr;
	s5 =	simm.s32 $0xFFFFFFFF;
	p2 =	slt.u32 s8, $0xFFFFF086  }
0x1c: {  	p1 =	slt.u32 s9, $0xF7A;
	s5 =	simm.s32 @!p2 $0x0  }
0x1d: {  	s5 =	simm.s32 @p1 $0x1;
	p0 =	seq.s32 s7, s2  }
0x1e: {  	s7 =	smul.u32 @!p0 $0xF7A, s2;
	p2 =	seq.s32 @!p0 s5, $0x0  }
0x1f: {  	s9 =	smul.u32 $0xF7A, s1;
	s8 =	simm.s32 @!p0 $0x1BF5;
	p2 =	por !p2, p0  }
0x20: {  	[sflag:s8] =	ssyncset.s32 @!p0 $0xFFFFF086;
	s6 =	sadd.s32 @!p0 s3, s7;
	s7 =	simm.s32 @!p0 $0x108  }
0x21: {  	s3 =	sadd.s32 s3, s9;
	s6 =	sadd.s32 @!p0 $0x88, s6;
	s7 =	simm.s32 @p2 $0x1082  }
0x22: {  	[simem:s7], [sflag:s8] =	dma.local @!p0 [hbm:s6], $0xF7A  }
0x23: {  	s9 =	sor.u32 $0xD0000000, s2;
	s6 =	simm.s32 $0x108;
	_ =	swait.ge @!p0 [sflag:s8], $0x0  }
0x24: {  	s3 =	sadd.s32 $0x88, s3;
	s6 =	simm.s32 @!p1 $0x1082;
	[sflag:s4] =	ssyncset.s32 $0xFFFFF086  }
0x25: {  	[simem:s6], [sflag:s4] =	dma.local [hbm:s3], $0xF7A  }
0x26: {  	[smem:$0x3F95] =	sst s1;
	(tag) =	ssettag s2;
	_ =	strace s9  }
0x27: {  	s1 =	sld [smem:$0x3FA5]  }
0x28: {  	s2 =	sld [smem:$0x3FA6]  }
0x29: {  	s4 =	sld [smem:$0x3FA8]  }
0x2a: {  	p0 =	seq.s32 s5, $0x0;
	s5 =	sld [smem:$0x3FA9]  }
0x2b: {  	s6 =	sld [smem:$0x3FAA]  }
0x2c: {  	s7 =	sld [smem:$0x3FAB]  }
0x2d: {  	s3 =	simm.s32 $0x108;
	s8 =	sld [smem:$0x3FAC]  }
0x2e: {  	s3 =	simm.s32 @!p0 $0x1082;
	s9 =	sld [smem:$0x3FAD]  }
0x2f: {  	lr =	sadd.s32 s0, s3;
	s0 =	sld [smem:$0x3FA4]  }
0x30: {  	s3 =	sld [smem:$0x3FA7]  }
0x31: {  	[smem:$0x3FB0] =	sst s10  }
0x32: {  	s10 =	sld [smem:$0x3FAE];
	_ =	sdelay $0x3  }
0x33: {  	p0 =	seq.s32 s10, $0x1;
	s10 =	sld [smem:$0x3FB0];
	_ =	sdelay $0x3  }
0x34: {  	[smem:$0x3FB0] =	sst s10  }
0x35: {  	s10 =	sld [smem:$0x3FAF];
	_ =	sdelay $0x3  }
0x36: {  	p1 =	seq.s32 s10, $0x1;
	s10 =	sld [smem:$0x3FB0];
	_ =	sdelay $0x3  }
0x37: {  	[smem:$0x3FB0] =	sst s10  }
0x38: {  	s10 =	sld [smem:$0x3FB1]  }
0x39: {  	_ = 	snop;
	(pc) =	sbr.ind lr, $3  }
0x3a: {  	_ = 	snop  }
0x3b: {  	_ = 	snop  }
0x3c: {  	p2 =	seq.s32 s10, $0x1;
	s10 =	sld [smem:$0x3FB0]  }
0x3d: {  	_ =	shalt  }
0x3e: {  	_ =	shalt  }
0x3f: {  	_ =	shalt  }
0x40: {  	_ =	shalt  }
0x41: {  	_ =	shalt  }
0x42: {  	_ =	shalt  }
0x43: {  	_ =	shalt  }
0x44: {  	_ =	shalt  }
0x45: {  	_ =	shalt  }
0x46: {  	_ =	shalt  }
0x47: {  	_ =	shalt  }
0x48: {  	_ =	shalt  }
0x49: {  	_ =	shalt  }
0x4a: {  	_ =	shalt  }
0x4b: {  	_ =	shalt  }
0x4c: {  	_ =	shalt  }
0x4d: {  	_ =	shalt  }
0x4e: {  	_ =	shalt  }
0x4f: {  	_ =	shalt  }
0x50: {  	_ =	shalt  }
0x51: {  	_ =	shalt  }
0x52: {  	_ =	shalt  }
0x53: {  	_ =	shalt  }
0x54: {  	_ =	shalt  }
0x55: {  	_ =	shalt  }
0x56: {  	_ =	shalt  }
0x57: {  	_ =	shalt  }
0x58: {  	_ =	shalt  }
0x59: {  	_ =	shalt  }
0x5a: {  	_ =	shalt  }
0x5b: {  	_ =	shalt  }
0x5c: {  	_ =	shalt  }
0x5d: {  	_ =	shalt  }
0x5e: {  	_ =	shalt  }
0x5f: {  	_ =	shalt  }
0x60: {  	_ =	shalt  }
0x61: {  	_ =	shalt  }
0x62: {  	_ =	shalt  }
0x63: {  	_ =	shalt  }
0x64: {  	_ =	shalt  }
0x65: {  	_ =	shalt  }
0x66: {  	_ =	shalt  }
0x67: {  	_ =	shalt  }
0x68: {  	_ =	shalt  }
0x69: {  	_ =	shalt  }
0x6a: {  	_ =	shalt  }
0x6b: {  	_ =	shalt  }
0x6c: {  	_ =	shalt  }
0x6d: {  	_ =	shalt  }
0x6e: {  	_ =	shalt  }
0x6f: {  	_ =	shalt  }
0x70: {  	_ =	shalt  }
0x71: {  	_ =	shalt  }
0x72: {  	_ =	shalt  }
0x73: {  	_ =	shalt  }
0x74: {  	_ =	shalt  }
0x75: {  	_ =	shalt  }
0x76: {  	_ =	shalt  }
0x77: {  	_ =	shalt  }
0x78: {  	_ =	shalt  }
0x79: {  	_ =	shalt  }
0x7a: {  	_ =	shalt  }
0x7b: {  	_ =	shalt  }
0x7c: {  	_ =	shalt  }
0x7d: {  	_ =	shalt  }
0x7e: {  	_ =	shalt  }
0x7f: {  	_ =	shalt  }
0x80: {  	_ =	shalt  }
0x81: {  	_ =	shalt  }
0x82: {  	_ =	shalt  }
0x83: {  	_ =	shalt  }
0x84: {  	_ =	shalt  }
0x85: {  	_ =	shalt  }
0x86: {  	_ =	shalt  }
0x87: {  	_ =	shalt  }
.Lfunc_end0:
.L_simem_size_0:
called_computation_lowered:
.L_overlay_start_0:
0x88: {  	s2 =	sld [smem:$0x3FD9]  }
0x89: {  	s3 =	sld [smem:$0x3FFE];
	_ =	sdelay $0x1  }
0x8a: {  	s1 =	srdreg.scid  }
0x8b: {  	s0 =	sand.u32 $0x1, s1  }
0x8c: {  	s14 =	sshll.u32 s0, $0xA;
	s2 =	sadd.s32 s3, s2  }
0x8d: {  	s2 =	sadd.s32 s2, s14  }
0x8e: {  	[smem:$0x3FBC] =	sst s2  }
0x8f: {  	_ = 	snop  }
0x90: {  	s2 =	sld [smem:$0x3FD0];
	_ =	sdelay $0x2  }
0x91: {  	s15 =	simm.s32 $0xA;
	s4 =	simm.s32 $0x10  }
0x92: {  	[smem:s4], [sflag:s15] =	dma.local [hbm:s2], $0x1  }
0x93: {  	_ =	swait.eq [sflag:s15], $0x1  }
0x94: {  	[sflag:s15] =	ssyncset.done $0x0  }
0x95: {  	[sflag:s15] =	ssyncadd.s32 $0xFFFFFFFF  }
0x96: {  	s16 =	sld [smem:$0x12];
	(tm) =	ssettm $0x1  }
0x97: {  	s17 =	sld [smem:$0x3FFB];
	_ =	sdelay $0x3  }
0x98: {  	_ =	strace s17  }
0x99: {  	s3 =	sld [smem:$0x3FFC];
	_ =	sdelay $0x3  }
0x9a: {  	_ =	strace s3  }
0x9b: {  	s3 =	sld [smem:$0x3FFD];
	_ =	sdelay $0x3  }
0x9c: {  	_ =	strace s3  }
0x9d: {  	_ =	strace $0x8FFFFFFF  }
0x9e: {  	s18 =	sld [smem:$0x3FDB];
	_ =	sdelay $0x1  }
0x9f: {  	s19 =	simm.s32 $_scs_section_size  }
0xa0: {  	s5 =	simm.s32 $_size__tile_overlayer_lowered;
	s6 =	simm.s32 $_tile_overlayer_lowered  }
0xa1: {  	s22 =	simm.s32 $0x1BFF;
	s21 =	sshll.u32 s6, $0x1;
	s3 =	sadd.s32 s19, s18  }
0xa2: {  	s7 =	simm.s32 $0x0;
	s20 =	sshll.u32 s5, $0x1;
	s5 =	sadd.s32 s21, s3  }
0xa3: {  	[timem:s7], [sflag:s22] =	dma.local [hbm:s5], s20  }
0xa4: {  	_ =	swait.ge [sflag:s22], s20  }
0xa5: {  	s4 =	ssub.s32 $0x0, s20;
	[sflag:s22] =	ssyncset.done $0x0  }
0xa6: {  	[sflag:s22] =	ssyncadd.s32 s4;
	_ =	sdelay $0x1  }
0xa7: {  	s23 =	simm.s32 $0x1B8B  }
0xa8: {  	_ =	swait.ge [sflag:s23], $0x1  }
0xa9: {  	[sflag:s23] =	ssyncset.done $0x0  }
0xaa: {  	s25 =	simm.s32 $0x1B8E;
	s24 =	sld [smem:$0x3FFE];
	[sflag:s23] =	ssyncadd.s32 $0xFFFFFFFF  }
0xab: {  	s26 =	simm.s32 $execute0_lowered;
	[smem:$0x3FD2] =	sst s25  }
0xac: {  	s5 =	sshll.u32 s26, $0x1;
	_ =	strace $0x80000046;
	[dreg:$0x1] =	wrdreg $0xFFFFFFFF  }
0xad: {  	s28 =	simm.s32 $_size_execute0_lowered;
	s3 =	sadd.s32 s3, s5;
	[dreg:$0x0] =	wrdreg $0x0  }
0xae: {  	s5 =	sshll.u32 s28, $0x1;
	[dreg:$0x2] =	wrdreg s3  }
0xaf: {  	[dreg:$0x3] =	wrdreg s5  }
0xb0: {  	[dreg:$0x4] =	wrdreg $0xC0  }
0xb1: {  	_ =	task [dreg:s7], $0x5FFFF  }
0xb2: {  	[dreg:$0x1] =	wrdreg $0xFFFFFFFF  }
0xb3: {  	[dreg:$0x0] =	wrdreg $0x60  }
0xb4: {  	[dreg:$0x2] =	wrdreg s24  }
0xb5: {  	[dreg:$0x3] =	wrdreg s16  }
0xb6: {  	[dreg:$0x4] =	wrdreg $0x18000  }
0xb7: {  	[dreg:$0x5] =	wrdreg $0x9  }
0xb8: {  	_ =	task.clear_ibuf [dreg:s7], $0x6FFFF;
	_ =	strace $0x90000046  }
0xb9: {  	s29 =	simm.s32 $0x9;
	_ =	strace $0x80000048  }
0xba: {  	_ =	swait.ge [sflag:s29], $0x1  }
0xbb: {  	[sflag:s29] =	ssyncadd.s32 $0xFFFFFFFF  }
0xbc: {  	_ =	strace $0x90000048  }
0xbd: {  	_ =	sfence  }
0xbe: {  	s30 =	sld [smem:$0x0];
	_ =	sdelay $0x2  }
0xbf: {  	s31 =	sshll.u32 s1, $0xD;
	s1 =	sshrl.u32 s1, $0x2  }
0xc0: {  	s3 =	sand.u32 $0x4000, s31;
	s1 =	sadd.s32 s1, s30  }
0xc1: {  	s0 =	sor.u32 s3, s0;
	s1 =	sshll.u32 s1, $0x11  }
0xc2: {  	s0 =	sor.u32 s1, s0  }
0xc3: {  	s0 =	sadd.s32 $0x8F2B, s0  }
0xc4: {  	[sflag:s0] =	ssyncadd.remote.s32 $0x1  }
0xc5: {  	_ =	sfence.sel $0xFFFF  }
0xc6: {  	[dreg:$0x0] =	wrdreg $0xFFFFFFFF;
	(pc) =	sbr.abs _section_cstart, $3  }
0xc7: {  	[dreg:$0x1] =	wrdreg $0xFFFFFFFF  }
0xc8: {  	_ =	task.clear_ibuf [dreg:s7], $0x2FFFF;
	_ =	strace $0x9FFFFFFF  }
0xc9: {  	(tm) =	ssettm $0x7FFFFFFF  }
tec
execute0_lowered:
.L_overlay_start_1:
0x0: {  	(tag) =	ssettag $0x1  }
0x1: {  	s1 =	srdreg.scid  }
0x2: {  	s5 =	rddreg [dreg:$0x0];
	s0 =	stileid.u32;
	s16 =	sand.u32 $0x1, s1  }
0x3: {  	s2 =	rddreg [dreg:$0x1];
	s7 =	sshll.u32 s0, $0xB;
	s6 =	sshll.u32 s16, $0xF  }
0x4: {  	s3 =	rddreg [dreg:$0x2];
	s7 =	sor.u32 s7, s6  }
0x5: {  	s4 =	simm.s32 $0x0;
	s8 =	simm.s32 $0x800;
	s6 =	sshrl.u32 s7, $0x3  }
0x6: {  	s9 =	simm.s32 $0x1000;
	[smem:$0x7FF] =	sst s4;
	s17 =	sadd.s32 s6, s5  }
0x7: {  	s1 =	rddreg [dreg:$0x3];
	_ =	strace $0x80000047;
	s6 =	sadd.s32 $0x1000, s17  }
0x8: {  	[tilespmem:s4], [sflag:$0x1] =	stream.linear.gather [hbm4b:s6+s4], $0x800, $0x38;
	[tilespmem:$0x2808] =	vst v63  }
0x9: {  	s11 =	simm.s32 $0x1;
	s18 =	sshll.u32 s0, $0x6;
	s10 =	sadd.s32 s7, s3  }
0xa: {  	[tilespmem:s8], [sflag:$0x2] =	stream.linear.gather [hbm4b:s2+s4], $0x800, $0x38;
	[tilespmem:$0x2808] =	vst v63  }
0xb: {  	s7 =	sor.u32 $0x1C04, s18;
	s5 =	sadd.s32 $0x3000, s5;
	s10 =	sshrl.u32 s10, $0x3  }
0xc: {  	[tilespmem:s9], [sflag:$0x3] =	stream.linear.gather [hbm4b:s5+s4], $0x800, $0x38;
	[tilespmem:$0x2808] =	vst v63  }
0xd: {  	[spmem:s10], [sflag:s7] =	dma.local [hbm:s5], $0x100  }
0xe: {  	_ =	swait.ge [sflag:s11], $0x800  }
0xf: {  	[sflag:s11] =	ssyncset.done $0x0  }
0x10: {  	s12 =	simm.s32 $0x2;
	[sflag:s11] =	ssyncadd.s32 $0xFFFFF800  }
0x11: {  	_ =	swait.ge [sflag:s12], $0x800  }
0x12: {  	[sflag:s12] =	ssyncset.done $0x0  }
0x13: {  	s13 =	simm.s32 $0x3;
	[sflag:s12] =	ssyncadd.s32 $0xFFFFF800  }
0x14: {  	_ =	swait.ge [sflag:s13], $0x800  }
0x15: {  	[sflag:s13] =	ssyncset.done $0x0  }
0x16: {  	s14 =	simm.s32 $0x4;
	[sflag:s13] =	ssyncadd.s32 $0xFFFFF800  }
0x17: {  	_ =	swait.ge [sflag:s14], $0x100  }
0x18: {  	[sflag:s14] =	ssyncset.done $0x0  }
0x19: {  	s15 =	simm.s32 $0x5;
	s16 =	ssub.s32 $0x2, s16;
	[sflag:s14] =	ssyncadd.s32 $0xFFFFFF00  }
0x1a: {  	[spmem:s3] =	stream.indirect.scatter.add.f32 [tilespmem:s8], [sflag:$0x5], $0x1, s4, s8, $0xb8;
	[tilespmem:$0x2808] =	vst v63  }
0x1b: {  	s19 =	sshrl.u32 s16, $0x1;
	_ =	swait.ge [sflag:s15], $0x800  }
0x1c: {  	s19 =	ssub.s32 s16, s19;
	[sflag:s15] =	ssyncset.done $0x0  }
0x1d: {  	s19 =	smax.u32 s19, $0x1;
	[sflag:s15] =	ssyncadd.s32 $0xFFFFF800  }
0x1e: {  	[spmem:s3] =	stream.indirect.scatter.add.f32 [tilespmem:s9], [sflag:$0x5], $0x1, s4, s8, $0xb8;
	[tilespmem:$0x2808] =	vst v63  }
0x1f: {  	p0 =	sne.s32 s19, $0x1;
	_ =	swait.ge [sflag:s15], $0x800  }
.Ltmp0:
0x20: {  	[sflag:s15] =	ssyncset.done $0x0;
	(pc) =	sbr.rel @!p0 .LBB2_2-.Ltmp0, $4  }
0x21: {  	s16 =	sadd.s32 $0x3200, s17;
	s17 =	sor.u32 $0x1C05, s18;
	[sflag:s15] =	ssyncadd.s32 $0xFFFFF800  }
0x22: {  	[hbm:s16], [sflag:s17] =	dma.local [spmem:s10], $0x100  }
0x23: {  	_ =	swait.ge [sflag:s15], $0x100  }
0x24: {  	s18 =	sadd.s32 $0xFFFFFFFF, s19;
	[sflag:s15] =	ssyncset.done $0x0  }
.LBB2_1:
0x25: {  	p0 =	sne.s32 s18, $0x1;
	s18 =	sadd.s32 $0xFFFFFFFF, s18;
	[sflag:s15] =	ssyncadd.s32 $0xFFFFFF00  }
0x26: {  	[tilespmem:s4], [sflag:$0x1] =	stream.linear.gather [hbm4b:s6+s4], $0x800, $0x38;
	[tilespmem:$0x2808] =	vst v63  }
0x27: {  	_ = 	snop  }
0x28: {  	[tilespmem:s8], [sflag:$0x2] =	stream.linear.gather [hbm4b:s2+s4], $0x800, $0x38;
	[tilespmem:$0x2808] =	vst v63  }
0x29: {  	_ = 	snop  }
0x2a: {  	[tilespmem:s9], [sflag:$0x3] =	stream.linear.gather [hbm4b:s5+s4], $0x800, $0x38;
	[tilespmem:$0x2808] =	vst v63  }
0x2b: {  	[spmem:s10], [sflag:s7] =	dma.local [hbm:s5], $0x100  }
0x2c: {  	_ =	swait.ge [sflag:s11], $0x800  }
0x2d: {  	[sflag:s11] =	ssyncset.done $0x0  }
0x2e: {  	[sflag:s11] =	ssyncadd.s32 $0xFFFFF800  }
0x2f: {  	_ =	swait.ge [sflag:s12], $0x800  }
0x30: {  	[sflag:s12] =	ssyncset.done $0x0  }
0x31: {  	[sflag:s12] =	ssyncadd.s32 $0xFFFFF800  }
0x32: {  	_ =	swait.ge [sflag:s13], $0x800  }
0x33: {  	[sflag:s13] =	ssyncset.done $0x0  }
0x34: {  	[sflag:s13] =	ssyncadd.s32 $0xFFFFF800  }
0x35: {  	_ =	swait.ge [sflag:s14], $0x100  }
0x36: {  	[sflag:s14] =	ssyncset.done $0x0  }
0x37: {  	[sflag:s14] =	ssyncadd.s32 $0xFFFFFF00  }
0x38: {  	[spmem:s3] =	stream.indirect.scatter.add.f32 [tilespmem:s8], [sflag:$0x5], $0x1, s4, s8, $0xb8;
	[tilespmem:$0x2808] =	vst v63  }
0x39: {  	_ =	swait.ge [sflag:s15], $0x800  }
0x3a: {  	[sflag:s15] =	ssyncset.done $0x0  }
0x3b: {  	[sflag:s15] =	ssyncadd.s32 $0xFFFFF800  }
0x3c: {  	[spmem:s3] =	stream.indirect.scatter.add.f32 [tilespmem:s9], [sflag:$0x5], $0x1, s4, s8, $0xb8;
	[tilespmem:$0x2808] =	vst v63  }
0x3d: {  	_ =	swait.ge [sflag:s15], $0x800  }
.Ltmp1:
0x3e: {  	[sflag:s15] =	ssyncset.done $0x0;
	(pc) =	sbr.rel @p0 .LBB2_1-.Ltmp1, $4  }
0x3f: {  	[sflag:s15] =	ssyncadd.s32 $0xFFFFF800  }
0x40: {  	[hbm:s16], [sflag:s17] =	dma.local [spmem:s10], $0x100  }
0x41: {  	_ =	swait.ge [sflag:s15], $0x100  }
0x42: {  	[sflag:s15] =	ssyncset.done $0x0  }
.LBB2_2:
0x43: {  	[sflag:s15] =	ssyncadd.s32 $0xFFFFFF00  }
0x44: {  	_ =	sfence.sel $0x180000  }
0x45: {  	[bflag:$0x0] =	sbarrier.arrive $0xFFFF  }
0x46: {  	p0 =	sne.s32 s0, $0x0;
	_ =	strace $0x90000047  }
0x47: {  	s0 =	sadd.s32 @!p0 $0x100000, s1;
	[bflag:$0x2] =	sbarrier.arrive $0xFFFF  }
0x48: {  	[sflag:s0] =	ssyncadd.tile.s32 @!p0 $0x1;
	_ =	shalt  }
.Lfunc_end2:
_tile_overlayer_lowered:
.L_overlay_start_2:
0x49: {  	(tag) =	ssettag $0x2  }
0x4a: {  	s0 =	rddreg [dreg:$0x0];
	s2 =	stileid.u32  }
0x4b: {  	s1 =	rddreg [dreg:$0x1];
	p0 =	sne.s32 s2, $0x0  }
0x4c: {  	s3 =	rddreg [dreg:$0x2];
	[bflag:$0x3] =	sbarrier.arrive $0xFFFF;
	s2 =	simm.s32 @!p0 $0x1C05  }
0x4d: {  	[timem:s3], [sflag:s2] =	dma.local @!p0 [hbm:s0], s1  }
0x4e: {  	s0 =	simm.s32 @!p0 $0x5  }
0x4f: {  	_ =	swait.ge @!p0 [sflag:s0], s1  }
0x50: {  	s1 =	ssub.s32 @!p0 $0x0, s1;
	[sflag:s0] =	ssyncset.done @!p0 $0x0  }
0x51: {  	[sflag:s0] =	ssyncadd.s32 @!p0 s1  }
0x52: {  	[bflag:$0x3] =	sbarrier.arrive $0xFFFF  }
0x53: {  	_ =	shalt  }

</sc_bundles>
